<compile_context>
chip_gen: v7x
topology: tpu7x:2x2x1
jax: 0.10.2.dev20260603
libtpu: 0.0.44.dev20260713+nightly
codegen_flags: <defaults>
</compile_context>

<pallas_src>
import jax
import jax.numpy as jnp
from jax import lax
from jax.experimental import pallas as pl
from jax.experimental.pallas import tpu as pltpu
from jax.experimental.pallas import tpu_sc as plsc

N_ATOMS = 100000
NUM_TYPES = 64
L = 16
NUM_WORKERS = 32

CHUNK = 3136
LAST = N_ATOMS - (NUM_WORKERS - 1) * CHUNK


def _sc_body(energy_hbm, types_hbm, shifts_hbm, scales_hbm, out_hbm,
             shifts_v, scales_v, types_v, energy_v, out_v, sem_tab, sem):
    wid = lax.axis_index("s") * 2 + lax.axis_index("c")
    base = wid * CHUNK

    t1 = pltpu.async_copy(shifts_hbm, shifts_v, sem_tab)
    t2 = pltpu.async_copy(scales_hbm, scales_v, sem_tab)

    def work(size):
        c1 = pltpu.async_copy(types_hbm.at[pl.ds(base, size)],
                              types_v.at[pl.ds(0, size)], sem)
        c2 = pltpu.async_copy(energy_hbm.at[pl.ds(base, size)],
                              energy_v.at[pl.ds(0, size)], sem)
        t1.wait()
        t2.wait()
        c1.wait()
        c2.wait()

        @plsc.parallel_loop(0, size, L, unroll=8)
        def _(off):
            t = types_v[pl.ds(off, L)]
            sh = plsc.load_gather(shifts_v, [t])
            sc = plsc.load_gather(scales_v, [t])
            e = energy_v[pl.ds(off, L)]
            out_v[pl.ds(off, L)] = sh + sc * e

        pltpu.sync_copy(out_v.at[pl.ds(0, size)],
                        out_hbm.at[pl.ds(base, size)])

    @pl.when(wid < NUM_WORKERS - 1)
    def _():
        work(CHUNK)

    @pl.when(wid == NUM_WORKERS - 1)
    def _():
        work(LAST)


@jax.jit
def _run(energy, types, shifts, scales):
    mesh = plsc.VectorSubcoreMesh(core_axis_name="c", subcore_axis_name="s")
    return pl.kernel(
        _sc_body,
        out_type=jax.ShapeDtypeStruct((N_ATOMS,), jnp.float32),
        mesh=mesh,
        compiler_params=pltpu.CompilerParams(
            needs_layout_passes=False,
            disable_bounds_checks=True,
            skip_device_barrier=True,
        ),
        scratch_types=[
            pltpu.VMEM((NUM_TYPES,), jnp.float32),
            pltpu.VMEM((NUM_TYPES,), jnp.float32),
            pltpu.VMEM((CHUNK,), jnp.int32),
            pltpu.VMEM((CHUNK,), jnp.float32),
            pltpu.VMEM((CHUNK,), jnp.float32),
            pltpu.SemaphoreType.DMA,
            pltpu.SemaphoreType.DMA,
        ],
    )(energy, types, shifts, scales)


def kernel(atomic_energy, atom_types, shifts, scales):
    energy = atomic_energy.astype(jnp.float32).reshape(-1)
    types = atom_types.astype(jnp.int32).reshape(-1)
    out = _run(energy, types, shifts, scales)
    return out.reshape(-1, 1)

# --- scband reference (transcript-rebuilt; emitter-appended) ---
"""Pipeline reference for scband-per-type-scale-shift-60155311948469 (READ-ONLY COPY).

The authoritative reference and input builder live on the scoring server;
editing this copy changes nothing except your own understanding.
"""

import jax, jax.numpy as jnp
import numpy as np

N_ATOMS = 100000
NUM_TYPES = 64

def setup_inputs(seed: int = 0) -> dict:
    key = jax.random.key(seed)
    k1, k2 = jax.random.split(key)
    atomic_energy = jax.random.normal(k1, (N_ATOMS, 1), dtype=jnp.float32)
    atom_types = jax.random.randint(k2, (N_ATOMS,), 0, NUM_TYPES, dtype=jnp.int64 if jax.config.jax_enable_x64 else jnp.int32)
    # learned per-type parameters: initial shifts=-1.5, scales=2.0 broadcast to num_types
    shifts = jnp.full((NUM_TYPES,), -1.5, dtype=jnp.float32)
    scales = jnp.full((NUM_TYPES,), 2.0, dtype=jnp.float32)
    return {"atomic_energy": atomic_energy, "atom_types": atom_types, "shifts": shifts, "scales": scales}

def reference(atomic_energy, atom_types, shifts, scales):
    # PerTypeScaleShift.forward: has_scales and has_shifts -> addcmul
    species_idx = atom_types.reshape(-1)
    in_field = atomic_energy.astype(jnp.float32)  # cast to default_dtype
    per_atom_shift = jnp.take(shifts, species_idx, axis=0).reshape(-1, 1)
    per_atom_scale = jnp.take(scales, species_idx, axis=0).reshape(-1, 1)
    # torch.addcmul(shift, scale, x) = shift + scale * x
    out = per_atom_shift + per_atom_scale * in_field
    return out

if __name__ == "__main__":
    import jax
    _d = setup_inputs()
    print(jax.jit(kernel)(*tuple(_d.values())))

</pallas_src>

<mosaic_0001>
#map = affine_map<(d0, d1) -> (0)>
module attributes {stable_mosaic.version = 14 : i64} {
  func.func @_sc_body(%arg0: i32, %arg1: i32, %arg2: memref<100000xf32, #tpu.memory_space<hbm>>, %arg3: memref<100000xi32, #tpu.memory_space<hbm>>, %arg4: memref<64xf32, #tpu.memory_space<hbm>>, %arg5: memref<64xf32, #tpu.memory_space<hbm>>, %arg6: memref<100000xf32, #tpu.memory_space<hbm>>, %arg7: memref<64xf32, #tpu.memory_space<vmem>>, %arg8: memref<64xf32, #tpu.memory_space<vmem>>, %arg9: memref<3136xi32, #tpu.memory_space<vmem>>, %arg10: memref<3136xf32, #tpu.memory_space<vmem>>, %arg11: memref<3136xf32, #tpu.memory_space<vmem>>, %arg12: memref<!tpu.dma_semaphore, #tpu.memory_space<semaphore_mem>>, %arg13: memref<!tpu.dma_semaphore, #tpu.memory_space<semaphore_mem>>) attributes {dimension_semantics = [#tpu.dimension_semantics<core_parallel>, #tpu.dimension_semantics<subcore_parallel>], iteration_bounds = array<i64: 2, 16>, scalar_prefetch = 0 : i64, scratch_operands = 7 : i64, tpu.core_type = #tpu.core_type<sc_vector_subcore>, window_params = [{transform_indices = #map}, {transform_indices = #map}, {transform_indices = #map}, {transform_indices = #map}, {transform_indices = #map}]} {
    %mul3A = arith.constant 2 : i32
    %mul3A_0 = arith.muli %arg1, %mul3A : i32
    %add3A = arith.addi %mul3A_0, %arg0 : i32
    %mul3A_1 = arith.constant 3136 : i32
    %mul3A_2 = arith.muli %add3A, %mul3A_1 : i32
    tpu.enqueue_dma source(%arg4 : memref<64xf32, #tpu.memory_space<hbm>>) target(%arg7 : memref<64xf32, #tpu.memory_space<vmem>>) target_semaphore(%arg12 : memref<!tpu.dma_semaphore, #tpu.memory_space<semaphore_mem>>)
    tpu.enqueue_dma source(%arg5 : memref<64xf32, #tpu.memory_space<hbm>>) target(%arg8 : memref<64xf32, #tpu.memory_space<vmem>>) target_semaphore(%arg12 : memref<!tpu.dma_semaphore, #tpu.memory_space<semaphore_mem>>)
    %lt3A = arith.constant 31 : i32
    %lt3A_3 = arith.cmpi slt, %add3A, %lt3A : i32
    %convert_element_type3A = arith.extui %lt3A_3 : i1 to i32
    %cond3A = arith.constant 0 : i32
    %cond3A_4 = arith.cmpi ne, %convert_element_type3A, %cond3A : i32
    scf.if %cond3A_4 {
      %dma_start3A = arith.constant 0 : i32
      %dma_start3A_9 = tpu.memref_slice %arg9[%dma_start3A] : memref<3136xi32, #tpu.memory_space<vmem>> -> memref<3136xi32, #tpu.memory_space<vmem>>
      %dma_start3A_10 = tpu.memref_slice %arg3[%mul3A_2] : memref<100000xi32, #tpu.memory_space<hbm>> -> memref<3136xi32, #tpu.memory_space<hbm>>
      %dma_start3A_11 = arith.constant 0 : i32
      %dma_start3A_12 = tpu.memref_slice %arg9[%dma_start3A_11] : memref<3136xi32, #tpu.memory_space<vmem>> -> memref<3136xi32, #tpu.memory_space<vmem>>
      %dma_start3A_13 = tpu.memref_slice %arg3[%mul3A_2] : memref<100000xi32, #tpu.memory_space<hbm>> -> memref<3136xi32, #tpu.memory_space<hbm>>
      tpu.enqueue_dma source(%dma_start3A_13 : memref<3136xi32, #tpu.memory_space<hbm>>) target(%dma_start3A_12 : memref<3136xi32, #tpu.memory_space<vmem>>) target_semaphore(%arg13 : memref<!tpu.dma_semaphore, #tpu.memory_space<semaphore_mem>>)
      %dma_start3A_14 = arith.constant 0 : i32
      %dma_start3A_15 = tpu.memref_slice %arg10[%dma_start3A_14] : memref<3136xf32, #tpu.memory_space<vmem>> -> memref<3136xf32, #tpu.memory_space<vmem>>
      %dma_start3A_16 = tpu.memref_slice %arg2[%mul3A_2] : memref<100000xf32, #tpu.memory_space<hbm>> -> memref<3136xf32, #tpu.memory_space<hbm>>
      %dma_start3A_17 = arith.constant 0 : i32
      %dma_start3A_18 = tpu.memref_slice %arg10[%dma_start3A_17] : memref<3136xf32, #tpu.memory_space<vmem>> -> memref<3136xf32, #tpu.memory_space<vmem>>
      %dma_start3A_19 = tpu.memref_slice %arg2[%mul3A_2] : memref<100000xf32, #tpu.memory_space<hbm>> -> memref<3136xf32, #tpu.memory_space<hbm>>
      tpu.enqueue_dma source(%dma_start3A_19 : memref<3136xf32, #tpu.memory_space<hbm>>) target(%dma_start3A_18 : memref<3136xf32, #tpu.memory_space<vmem>>) target_semaphore(%arg13 : memref<!tpu.dma_semaphore, #tpu.memory_space<semaphore_mem>>)
      tpu.wait_dma2 semaphore(%arg12 : memref<!tpu.dma_semaphore, #tpu.memory_space<semaphore_mem>>) src(%arg4 : memref<64xf32, #tpu.memory_space<hbm>>) dst(%arg7 : memref<64xf32, #tpu.memory_space<vmem>>)
      tpu.wait_dma2 semaphore(%arg12 : memref<!tpu.dma_semaphore, #tpu.memory_space<semaphore_mem>>) src(%arg5 : memref<64xf32, #tpu.memory_space<hbm>>) dst(%arg8 : memref<64xf32, #tpu.memory_space<vmem>>)
      %dma_wait3A = arith.constant 0 : i32
      %dma_wait3A_20 = tpu.memref_slice %arg9[%dma_wait3A] : memref<3136xi32, #tpu.memory_space<vmem>> -> memref<3136xi32, #tpu.memory_space<vmem>>
      %dma_wait3A_21 = tpu.memref_slice %arg3[%mul3A_2] : memref<100000xi32, #tpu.memory_space<hbm>> -> memref<3136xi32, #tpu.memory_space<hbm>>
      %dma_wait3A_22 = arith.constant 0 : i32
      %dma_wait3A_23 = tpu.memref_slice %arg9[%dma_wait3A_22] : memref<3136xi32, #tpu.memory_space<vmem>> -> memref<3136xi32, #tpu.memory_space<vmem>>
      %dma_wait3A_24 = tpu.memref_slice %arg3[%mul3A_2] : memref<100000xi32, #tpu.memory_space<hbm>> -> memref<3136xi32, #tpu.memory_space<hbm>>
      tpu.wait_dma2 semaphore(%arg13 : memref<!tpu.dma_semaphore, #tpu.memory_space<semaphore_mem>>) src(%dma_wait3A_24 : memref<3136xi32, #tpu.memory_space<hbm>>) dst(%dma_wait3A_23 : memref<3136xi32, #tpu.memory_space<vmem>>)
      %dma_wait3A_25 = arith.constant 0 : i32
      %dma_wait3A_26 = tpu.memref_slice %arg10[%dma_wait3A_25] : memref<3136xf32, #tpu.memory_space<vmem>> -> memref<3136xf32, #tpu.memory_space<vmem>>
      %dma_wait3A_27 = tpu.memref_slice %arg2[%mul3A_2] : memref<100000xf32, #tpu.memory_space<hbm>> -> memref<3136xf32, #tpu.memory_space<hbm>>
      %dma_wait3A_28 = arith.constant 0 : i32
      %dma_wait3A_29 = tpu.memref_slice %arg10[%dma_wait3A_28] : memref<3136xf32, #tpu.memory_space<vmem>> -> memref<3136xf32, #tpu.memory_space<vmem>>
      %dma_wait3A_30 = tpu.memref_slice %arg2[%mul3A_2] : memref<100000xf32, #tpu.memory_space<hbm>> -> memref<3136xf32, #tpu.memory_space<hbm>>
      tpu.wait_dma2 semaphore(%arg13 : memref<!tpu.dma_semaphore, #tpu.memory_space<semaphore_mem>>) src(%dma_wait3A_30 : memref<3136xf32, #tpu.memory_space<hbm>>) dst(%dma_wait3A_29 : memref<3136xf32, #tpu.memory_space<vmem>>)
      %parallel_loop3A = arith.constant 0 : i32
      %parallel_loop3A_31 = arith.constant 3136 : i32
      %parallel_loop3A_32 = arith.constant 16 : i32
      scf.for %parallel_loop3A_33 = %parallel_loop3A to %parallel_loop3A_31 step %parallel_loop3A_32  : i32 {
        %parallel_loop3A_34 = arith.index_cast %parallel_loop3A_33 : i32 to index
        %parallel_loop3A_35 = tpu.vector_load %arg9[%parallel_loop3A_34] {strides = array<i32>} : memref<3136xi32, #tpu.memory_space<vmem>>, vector<16xi32>,
        %parallel_loop3A_36 = tpu.vector_load_idx %arg7[%parallel_loop3A_35] : memref<64xf32, #tpu.memory_space<vmem>>[vector<16xi32>], vector<16xf32>,
        %parallel_loop3A_37 = tpu.vector_load_idx %arg8[%parallel_loop3A_35] : memref<64xf32, #tpu.memory_space<vmem>>[vector<16xi32>], vector<16xf32>,
        %parallel_loop3A_38 = arith.index_cast %parallel_loop3A_33 : i32 to index
        %parallel_loop3A_39 = tpu.vector_load %arg10[%parallel_loop3A_38] {strides = array<i32>} : memref<3136xf32, #tpu.memory_space<vmem>>, vector<16xf32>,
        %parallel_loop3A_40 = arith.mulf %parallel_loop3A_37, %parallel_loop3A_39 : vector<16xf32>
        %parallel_loop3A_41 = arith.addf %parallel_loop3A_36, %parallel_loop3A_40 : vector<16xf32>
        %parallel_loop3A_42 = arith.index_cast %parallel_loop3A_33 : i32 to index
        %parallel_loop3A_43 = tpu.vector_load %arg11[%parallel_loop3A_42] {strides = array<i32>} : memref<3136xf32, #tpu.memory_space<vmem>>, vector<16xf32>,
        tpu.vector_store %arg11[%parallel_loop3A_42], %parallel_loop3A_41 {strides = array<i32>} : memref<3136xf32, #tpu.memory_space<vmem>>, vector<16xf32>,
      } {sc.loop_unroll_factor = 8 : i64, sc.parallel_access}
      "tpu.region"() ({
        %run_scoped3A = tpu.sem_alloc : memref<!tpu.dma_semaphore, #tpu.memory_space<semaphore_mem>>
        %dma_start3A_33 = arith.constant 0 : i32
        %dma_start3A_34 = tpu.memref_slice %arg11[%dma_start3A_33] : memref<3136xf32, #tpu.memory_space<vmem>> -> memref<3136xf32, #tpu.memory_space<vmem>>
        %dma_start3A_35 = tpu.memref_slice %arg6[%mul3A_2] : memref<100000xf32, #tpu.memory_space<hbm>> -> memref<3136xf32, #tpu.memory_space<hbm>>
        %dma_start3A_36 = tpu.memref_slice %arg6[%mul3A_2] : memref<100000xf32, #tpu.memory_space<hbm>> -> memref<3136xf32, #tpu.memory_space<hbm>>
        %dma_start3A_37 = arith.constant 0 : i32
        %dma_start3A_38 = tpu.memref_slice %arg11[%dma_start3A_37] : memref<3136xf32, #tpu.memory_space<vmem>> -> memref<3136xf32, #tpu.memory_space<vmem>>
        tpu.enqueue_dma source(%dma_start3A_38 : memref<3136xf32, #tpu.memory_space<vmem>>) target(%dma_start3A_36 : memref<3136xf32, #tpu.memory_space<hbm>>) target_semaphore(%run_scoped3A : memref<!tpu.dma_semaphore, #tpu.memory_space<semaphore_mem>>)
        %dma_wait3A_39 = arith.constant 0 : i32
        %dma_wait3A_40 = tpu.memref_slice %arg11[%dma_wait3A_39] : memref<3136xf32, #tpu.memory_space<vmem>> -> memref<3136xf32, #tpu.memory_space<vmem>>
        %dma_wait3A_41 = tpu.memref_slice %arg6[%mul3A_2] : memref<100000xf32, #tpu.memory_space<hbm>> -> memref<3136xf32, #tpu.memory_space<hbm>>
        %dma_wait3A_42 = tpu.memref_slice %arg6[%mul3A_2] : memref<100000xf32, #tpu.memory_space<hbm>> -> memref<3136xf32, #tpu.memory_space<hbm>>
        %dma_wait3A_43 = arith.constant 0 : i32
        %dma_wait3A_44 = tpu.memref_slice %arg11[%dma_wait3A_43] : memref<3136xf32, #tpu.memory_space<vmem>> -> memref<3136xf32, #tpu.memory_space<vmem>>
        tpu.wait_dma2 semaphore(%run_scoped3A : memref<!tpu.dma_semaphore, #tpu.memory_space<semaphore_mem>>) src(%dma_wait3A_44 : memref<3136xf32, #tpu.memory_space<vmem>>) dst(%dma_wait3A_42 : memref<3136xf32, #tpu.memory_space<hbm>>)
        tpu.yield
      }) : () -> ()
    } else {
    }
    %eq3A = arith.constant 31 : i32
    %eq3A_5 = arith.cmpi eq, %add3A, %eq3A : i32
    %convert_element_type3A_6 = arith.extui %eq3A_5 : i1 to i32
    %cond3A_7 = arith.constant 0 : i32
    %cond3A_8 = arith.cmpi ne, %convert_element_type3A_6, %cond3A_7 : i32
    scf.if %cond3A_8 {
      %dma_start3A = arith.constant 0 : i32
      %dma_start3A_9 = tpu.memref_slice %arg9[%dma_start3A] : memref<3136xi32, #tpu.memory_space<vmem>> -> memref<2784xi32, #tpu.memory_space<vmem>>
      %dma_start3A_10 = tpu.memref_slice %arg3[%mul3A_2] : memref<100000xi32, #tpu.memory_space<hbm>> -> memref<2784xi32, #tpu.memory_space<hbm>>
      %dma_start3A_11 = arith.constant 0 : i32
      %dma_start3A_12 = tpu.memref_slice %arg9[%dma_start3A_11] : memref<3136xi32, #tpu.memory_space<vmem>> -> memref<2784xi32, #tpu.memory_space<vmem>>
      %dma_start3A_13 = tpu.memref_slice %arg3[%mul3A_2] : memref<100000xi32, #tpu.memory_space<hbm>> -> memref<2784xi32, #tpu.memory_space<hbm>>
      tpu.enqueue_dma source(%dma_start3A_13 : memref<2784xi32, #tpu.memory_space<hbm>>) target(%dma_start3A_12 : memref<2784xi32, #tpu.memory_space<vmem>>) target_semaphore(%arg13 : memref<!tpu.dma_semaphore, #tpu.memory_space<semaphore_mem>>)
      %dma_start3A_14 = arith.constant 0 : i32
      %dma_start3A_15 = tpu.memref_slice %arg10[%dma_start3A_14] : memref<3136xf32, #tpu.memory_space<vmem>> -> memref<2784xf32, #tpu.memory_space<vmem>>
      %dma_start3A_16 = tpu.memref_slice %arg2[%mul3A_2] : memref<100000xf32, #tpu.memory_space<hbm>> -> memref<2784xf32, #tpu.memory_space<hbm>>
      %dma_start3A_17 = arith.constant 0 : i32
      %dma_start3A_18 = tpu.memref_slice %arg10[%dma_start3A_17] : memref<3136xf32, #tpu.memory_space<vmem>> -> memref<2784xf32, #tpu.memory_space<vmem>>
      %dma_start3A_19 = tpu.memref_slice %arg2[%mul3A_2] : memref<100000xf32, #tpu.memory_space<hbm>> -> memref<2784xf32, #tpu.memory_space<hbm>>
      tpu.enqueue_dma source(%dma_start3A_19 : memref<2784xf32, #tpu.memory_space<hbm>>) target(%dma_start3A_18 : memref<2784xf32, #tpu.memory_space<vmem>>) target_semaphore(%arg13 : memref<!tpu.dma_semaphore, #tpu.memory_space<semaphore_mem>>)
      tpu.wait_dma2 semaphore(%arg12 : memref<!tpu.dma_semaphore, #tpu.memory_space<semaphore_mem>>) src(%arg4 : memref<64xf32, #tpu.memory_space<hbm>>) dst(%arg7 : memref<64xf32, #tpu.memory_space<vmem>>)
      tpu.wait_dma2 semaphore(%arg12 : memref<!tpu.dma_semaphore, #tpu.memory_space<semaphore_mem>>) src(%arg5 : memref<64xf32, #tpu.memory_space<hbm>>) dst(%arg8 : memref<64xf32, #tpu.memory_space<vmem>>)
      %dma_wait3A = arith.constant 0 : i32
      %dma_wait3A_20 = tpu.memref_slice %arg9[%dma_wait3A] : memref<3136xi32, #tpu.memory_space<vmem>> -> memref<2784xi32, #tpu.memory_space<vmem>>
      %dma_wait3A_21 = tpu.memref_slice %arg3[%mul3A_2] : memref<100000xi32, #tpu.memory_space<hbm>> -> memref<2784xi32, #tpu.memory_space<hbm>>
      %dma_wait3A_22 = arith.constant 0 : i32
      %dma_wait3A_23 = tpu.memref_slice %arg9[%dma_wait3A_22] : memref<3136xi32, #tpu.memory_space<vmem>> -> memref<2784xi32, #tpu.memory_space<vmem>>
      %dma_wait3A_24 = tpu.memref_slice %arg3[%mul3A_2] : memref<100000xi32, #tpu.memory_space<hbm>> -> memref<2784xi32, #tpu.memory_space<hbm>>
      tpu.wait_dma2 semaphore(%arg13 : memref<!tpu.dma_semaphore, #tpu.memory_space<semaphore_mem>>) src(%dma_wait3A_24 : memref<2784xi32, #tpu.memory_space<hbm>>) dst(%dma_wait3A_23 : memref<2784xi32, #tpu.memory_space<vmem>>)
      %dma_wait3A_25 = arith.constant 0 : i32
      %dma_wait3A_26 = tpu.memref_slice %arg10[%dma_wait3A_25] : memref<3136xf32, #tpu.memory_space<vmem>> -> memref<2784xf32, #tpu.memory_space<vmem>>
      %dma_wait3A_27 = tpu.memref_slice %arg2[%mul3A_2] : memref<100000xf32, #tpu.memory_space<hbm>> -> memref<2784xf32, #tpu.memory_space<hbm>>
      %dma_wait3A_28 = arith.constant 0 : i32
      %dma_wait3A_29 = tpu.memref_slice %arg10[%dma_wait3A_28] : memref<3136xf32, #tpu.memory_space<vmem>> -> memref<2784xf32, #tpu.memory_space<vmem>>
      %dma_wait3A_30 = tpu.memref_slice %arg2[%mul3A_2] : memref<100000xf32, #tpu.memory_space<hbm>> -> memref<2784xf32, #tpu.memory_space<hbm>>
      tpu.wait_dma2 semaphore(%arg13 : memref<!tpu.dma_semaphore, #tpu.memory_space<semaphore_mem>>) src(%dma_wait3A_30 : memref<2784xf32, #tpu.memory_space<hbm>>) dst(%dma_wait3A_29 : memref<2784xf32, #tpu.memory_space<vmem>>)
      %parallel_loop3A = arith.constant 0 : i32
      %parallel_loop3A_31 = arith.constant 2784 : i32
      %parallel_loop3A_32 = arith.constant 16 : i32
      scf.for %parallel_loop3A_33 = %parallel_loop3A to %parallel_loop3A_31 step %parallel_loop3A_32  : i32 {
        %parallel_loop3A_34 = arith.index_cast %parallel_loop3A_33 : i32 to index
        %parallel_loop3A_35 = tpu.vector_load %arg9[%parallel_loop3A_34] {strides = array<i32>} : memref<3136xi32, #tpu.memory_space<vmem>>, vector<16xi32>,
        %parallel_loop3A_36 = tpu.vector_load_idx %arg7[%parallel_loop3A_35] : memref<64xf32, #tpu.memory_space<vmem>>[vector<16xi32>], vector<16xf32>,
        %parallel_loop3A_37 = tpu.vector_load_idx %arg8[%parallel_loop3A_35] : memref<64xf32, #tpu.memory_space<vmem>>[vector<16xi32>], vector<16xf32>,
        %parallel_loop3A_38 = arith.index_cast %parallel_loop3A_33 : i32 to index
        %parallel_loop3A_39 = tpu.vector_load %arg10[%parallel_loop3A_38] {strides = array<i32>} : memref<3136xf32, #tpu.memory_space<vmem>>, vector<16xf32>,
        %parallel_loop3A_40 = arith.mulf %parallel_loop3A_37, %parallel_loop3A_39 : vector<16xf32>
        %parallel_loop3A_41 = arith.addf %parallel_loop3A_36, %parallel_loop3A_40 : vector<16xf32>
        %parallel_loop3A_42 = arith.index_cast %parallel_loop3A_33 : i32 to index
        %parallel_loop3A_43 = tpu.vector_load %arg11[%parallel_loop3A_42] {strides = array<i32>} : memref<3136xf32, #tpu.memory_space<vmem>>, vector<16xf32>,
        tpu.vector_store %arg11[%parallel_loop3A_42], %parallel_loop3A_41 {strides = array<i32>} : memref<3136xf32, #tpu.memory_space<vmem>>, vector<16xf32>,
      } {sc.loop_unroll_factor = 8 : i64, sc.parallel_access}
      "tpu.region"() ({
        %run_scoped3A = tpu.sem_alloc : memref<!tpu.dma_semaphore, #tpu.memory_space<semaphore_mem>>
        %dma_start3A_33 = arith.constant 0 : i32
        %dma_start3A_34 = tpu.memref_slice %arg11[%dma_start3A_33] : memref<3136xf32, #tpu.memory_space<vmem>> -> memref<2784xf32, #tpu.memory_space<vmem>>
        %dma_start3A_35 = tpu.memref_slice %arg6[%mul3A_2] : memref<100000xf32, #tpu.memory_space<hbm>> -> memref<2784xf32, #tpu.memory_space<hbm>>
        %dma_start3A_36 = tpu.memref_slice %arg6[%mul3A_2] : memref<100000xf32, #tpu.memory_space<hbm>> -> memref<2784xf32, #tpu.memory_space<hbm>>
        %dma_start3A_37 = arith.constant 0 : i32
        %dma_start3A_38 = tpu.memref_slice %arg11[%dma_start3A_37] : memref<3136xf32, #tpu.memory_space<vmem>> -> memref<2784xf32, #tpu.memory_space<vmem>>
        tpu.enqueue_dma source(%dma_start3A_38 : memref<2784xf32, #tpu.memory_space<vmem>>) target(%dma_start3A_36 : memref<2784xf32, #tpu.memory_space<hbm>>) target_semaphore(%run_scoped3A : memref<!tpu.dma_semaphore, #tpu.memory_space<semaphore_mem>>)
        %dma_wait3A_39 = arith.constant 0 : i32
        %dma_wait3A_40 = tpu.memref_slice %arg11[%dma_wait3A_39] : memref<3136xf32, #tpu.memory_space<vmem>> -> memref<2784xf32, #tpu.memory_space<vmem>>
        %dma_wait3A_41 = tpu.memref_slice %arg6[%mul3A_2] : memref<100000xf32, #tpu.memory_space<hbm>> -> memref<2784xf32, #tpu.memory_space<hbm>>
        %dma_wait3A_42 = tpu.memref_slice %arg6[%mul3A_2] : memref<100000xf32, #tpu.memory_space<hbm>> -> memref<2784xf32, #tpu.memory_space<hbm>>
        %dma_wait3A_43 = arith.constant 0 : i32
        %dma_wait3A_44 = tpu.memref_slice %arg11[%dma_wait3A_43] : memref<3136xf32, #tpu.memory_space<vmem>> -> memref<2784xf32, #tpu.memory_space<vmem>>
        tpu.wait_dma2 semaphore(%run_scoped3A : memref<!tpu.dma_semaphore, #tpu.memory_space<semaphore_mem>>) src(%dma_wait3A_44 : memref<2784xf32, #tpu.memory_space<vmem>>) dst(%dma_wait3A_42 : memref<2784xf32, #tpu.memory_space<hbm>>)
        tpu.yield
      }) : () -> ()
    } else {
    }
    return
  }
}

</mosaic_0001>

<sc_bundles>
// kernel: _run.3.cloned.1.call-start
scs
__scs_entry_jumppad:
0x0: {  	(pc) =	sbr.rel $0x88, $3  }
0x1: {  	(tag) =	ssettag $0x0;
	lr =	simm.s32 $0x1  }
0x2: {  	[smem:$0x3F9D] =	sst lr;
	_ =	strace $0xD0000000  }
0x3: {  	_ = 	snop  }
0x4: {  	_ = 	snop  }
0x5: {  	_ = 	snop  }
0x6: {  	_ = 	snop  }
0x7: {  	_ = 	snop  }
__scs_overlays_trampoline_lowered:
0x8: {  	[smem:$0x3FAC] =	sst s0  }
0x9: {  	[smem:$0x3FAD] =	sst s1  }
0xa: {  	[smem:$0x3FAE] =	sst s2  }
0xb: {  	[smem:$0x3FAF] =	sst s3  }
0xc: {  	[smem:$0x3FB0] =	sst s4  }
0xd: {  	[smem:$0x3FB1] =	sst s5  }
0xe: {  	[smem:$0x3FB2] =	sst s6  }
0xf: {  	[smem:$0x3FB3] =	sst s7  }
0x10: {  	[smem:$0x3FB4] =	sst s8  }
0x11: {  	[smem:$0x3FB5] =	sst s9;
	s0 =	simm.s32 @!p0 $0x0  }
0x12: {  	s1 =	sld [smem:$0x3F9B];
	s0 =	simm.s32 @p0 $0x1  }
0x13: {  	[smem:$0x3FB6] =	sst s0;
	s0 =	simm.s32 @!p1 $0x0  }
0x14: {  	s2 =	sld [smem:$0x3F9A];
	s0 =	simm.s32 @p1 $0x1  }
0x15: {  	[smem:$0x3FB7] =	sst s0;
	s0 =	simm.s32 @!p2 $0x0  }
0x16: {  	s3 =	sld [smem:$0x3FDB];
	s0 =	simm.s32 @p2 $0x1  }
0x17: {  	s4 =	simm.s32 $0x1BF5;
	[smem:$0x3FB9] =	sst s0  }
0x18: {  	s0 =	sld [smem:$0x3F9C];
	_ =	swait.ge [sflag:s4], $0x0  }
0x19: {  	s7 =	sld [smem:$0x3F9D]  }
0x1a: {  	s8 =	sadd.s32 $0xFFFFE003, lr  }
0x1b: {  	s9 =	sadd.s32 $0xFFFFFEF7, lr;
	s5 =	simm.s32 $0xFFFFFFFF;
	p2 =	slt.u32 s8, $0xFFFFF086  }
0x1c: {  	p1 =	slt.u32 s9, $0xF7A;
	s5 =	simm.s32 @!p2 $0x0  }
0x1d: {  	s5 =	simm.s32 @p1 $0x1;
	p0 =	seq.s32 s7, s2  }
0x1e: {  	s7 =	smul.u32 @!p0 $0xF7A, s2;
	p2 =	seq.s32 @!p0 s5, $0x0  }
0x1f: {  	s9 =	smul.u32 $0xF7A, s1;
	s8 =	simm.s32 @!p0 $0x1BF5;
	p2 =	por !p2, p0  }
0x20: {  	[sflag:s8] =	ssyncset.s32 @!p0 $0xFFFFF086;
	s6 =	sadd.s32 @!p0 s3, s7;
	s7 =	simm.s32 @!p0 $0x108  }
0x21: {  	s3 =	sadd.s32 s3, s9;
	s6 =	sadd.s32 @!p0 $0x88, s6;
	s7 =	simm.s32 @p2 $0x1082  }
0x22: {  	[simem:s7], [sflag:s8] =	dma.local @!p0 [hbm:s6], $0xF7A  }
0x23: {  	s9 =	sor.u32 $0xD0000000, s2;
	s6 =	simm.s32 $0x108;
	_ =	swait.ge @!p0 [sflag:s8], $0x0  }
0x24: {  	s3 =	sadd.s32 $0x88, s3;
	s6 =	simm.s32 @!p1 $0x1082;
	[sflag:s4] =	ssyncset.s32 $0xFFFFF086  }
0x25: {  	[simem:s6], [sflag:s4] =	dma.local [hbm:s3], $0xF7A  }
0x26: {  	[smem:$0x3F9D] =	sst s1;
	(tag) =	ssettag s2;
	_ =	strace s9  }
0x27: {  	s1 =	sld [smem:$0x3FAD]  }
0x28: {  	s2 =	sld [smem:$0x3FAE]  }
0x29: {  	s4 =	sld [smem:$0x3FB0]  }
0x2a: {  	p0 =	seq.s32 s5, $0x0;
	s5 =	sld [smem:$0x3FB1]  }
0x2b: {  	s6 =	sld [smem:$0x3FB2]  }
0x2c: {  	s7 =	sld [smem:$0x3FB3]  }
0x2d: {  	s3 =	simm.s32 $0x108;
	s8 =	sld [smem:$0x3FB4]  }
0x2e: {  	s3 =	simm.s32 @!p0 $0x1082;
	s9 =	sld [smem:$0x3FB5]  }
0x2f: {  	lr =	sadd.s32 s0, s3;
	s0 =	sld [smem:$0x3FAC]  }
0x30: {  	s3 =	sld [smem:$0x3FAF]  }
0x31: {  	[smem:$0x3FB8] =	sst s10  }
0x32: {  	s10 =	sld [smem:$0x3FB6];
	_ =	sdelay $0x3  }
0x33: {  	p0 =	seq.s32 s10, $0x1;
	s10 =	sld [smem:$0x3FB8];
	_ =	sdelay $0x3  }
0x34: {  	[smem:$0x3FB8] =	sst s10  }
0x35: {  	s10 =	sld [smem:$0x3FB7];
	_ =	sdelay $0x3  }
0x36: {  	p1 =	seq.s32 s10, $0x1;
	s10 =	sld [smem:$0x3FB8];
	_ =	sdelay $0x3  }
0x37: {  	[smem:$0x3FB8] =	sst s10  }
0x38: {  	s10 =	sld [smem:$0x3FB9]  }
0x39: {  	_ = 	snop;
	(pc) =	sbr.ind lr, $3  }
0x3a: {  	_ = 	snop  }
0x3b: {  	_ = 	snop  }
0x3c: {  	p2 =	seq.s32 s10, $0x1;
	s10 =	sld [smem:$0x3FB8]  }
0x3d: {  	_ =	shalt  }
0x3e: {  	_ =	shalt  }
0x3f: {  	_ =	shalt  }
0x40: {  	_ =	shalt  }
0x41: {  	_ =	shalt  }
0x42: {  	_ =	shalt  }
0x43: {  	_ =	shalt  }
0x44: {  	_ =	shalt  }
0x45: {  	_ =	shalt  }
0x46: {  	_ =	shalt  }
0x47: {  	_ =	shalt  }
0x48: {  	_ =	shalt  }
0x49: {  	_ =	shalt  }
0x4a: {  	_ =	shalt  }
0x4b: {  	_ =	shalt  }
0x4c: {  	_ =	shalt  }
0x4d: {  	_ =	shalt  }
0x4e: {  	_ =	shalt  }
0x4f: {  	_ =	shalt  }
0x50: {  	_ =	shalt  }
0x51: {  	_ =	shalt  }
0x52: {  	_ =	shalt  }
0x53: {  	_ =	shalt  }
0x54: {  	_ =	shalt  }
0x55: {  	_ =	shalt  }
0x56: {  	_ =	shalt  }
0x57: {  	_ =	shalt  }
0x58: {  	_ =	shalt  }
0x59: {  	_ =	shalt  }
0x5a: {  	_ =	shalt  }
0x5b: {  	_ =	shalt  }
0x5c: {  	_ =	shalt  }
0x5d: {  	_ =	shalt  }
0x5e: {  	_ =	shalt  }
0x5f: {  	_ =	shalt  }
0x60: {  	_ =	shalt  }
0x61: {  	_ =	shalt  }
0x62: {  	_ =	shalt  }
0x63: {  	_ =	shalt  }
0x64: {  	_ =	shalt  }
0x65: {  	_ =	shalt  }
0x66: {  	_ =	shalt  }
0x67: {  	_ =	shalt  }
0x68: {  	_ =	shalt  }
0x69: {  	_ =	shalt  }
0x6a: {  	_ =	shalt  }
0x6b: {  	_ =	shalt  }
0x6c: {  	_ =	shalt  }
0x6d: {  	_ =	shalt  }
0x6e: {  	_ =	shalt  }
0x6f: {  	_ =	shalt  }
0x70: {  	_ =	shalt  }
0x71: {  	_ =	shalt  }
0x72: {  	_ =	shalt  }
0x73: {  	_ =	shalt  }
0x74: {  	_ =	shalt  }
0x75: {  	_ =	shalt  }
0x76: {  	_ =	shalt  }
0x77: {  	_ =	shalt  }
0x78: {  	_ =	shalt  }
0x79: {  	_ =	shalt  }
0x7a: {  	_ =	shalt  }
0x7b: {  	_ =	shalt  }
0x7c: {  	_ =	shalt  }
0x7d: {  	_ =	shalt  }
0x7e: {  	_ =	shalt  }
0x7f: {  	_ =	shalt  }
0x80: {  	_ =	shalt  }
0x81: {  	_ =	shalt  }
0x82: {  	_ =	shalt  }
0x83: {  	_ =	shalt  }
0x84: {  	_ =	shalt  }
0x85: {  	_ =	shalt  }
0x86: {  	_ =	shalt  }
0x87: {  	_ =	shalt  }
.Lfunc_end0:
.L_simem_size_0:
called_computation_lowered:
.L_overlay_start_0:
0x88: {  	s2 =	sld [smem:$0x3FD9]  }
0x89: {  	s3 =	sld [smem:$0x3FFE];
	_ =	sdelay $0x1  }
0x8a: {  	s1 =	srdreg.scid  }
0x8b: {  	s0 =	sand.u32 $0x1, s1  }
0x8c: {  	s18 =	sshll.u32 s0, $0xA;
	s2 =	sadd.s32 s3, s2  }
0x8d: {  	s2 =	sadd.s32 s2, s18  }
0x8e: {  	[smem:$0x3FC4] =	sst s2  }
0x8f: {  	_ = 	snop  }
0x90: {  	s2 =	sld [smem:$0x3FC9]  }
0x91: {  	s19 =	sld [smem:$0x3FC8]  }
0x92: {  	s4 =	sld [smem:$0x3FC7]  }
0x93: {  	s5 =	sld [smem:$0x3FC6]  }
0x94: {  	s6 =	sld [smem:$0x3FD0];
	(tm) =	ssettm $0x1  }
0x95: {  	s7 =	sld [smem:$0x3FFB];
	_ =	sdelay $0x3  }
0x96: {  	_ =	strace s7  }
0x97: {  	s7 =	sld [smem:$0x3FFC];
	_ =	sdelay $0x3  }
0x98: {  	_ =	strace s7  }
0x99: {  	s7 =	sld [smem:$0x3FFD];
	_ =	sdelay $0x3  }
0x9a: {  	_ =	strace s7  }
0x9b: {  	_ =	strace $0x8FFFFFFF  }
0x9c: {  	s20 =	sld [smem:$0x3FDB];
	_ =	sdelay $0x1  }
0x9d: {  	s8 =	simm.s32 $_scs_section_size  }
0x9e: {  	s9 =	simm.s32 $_size__tile_overlayer_lowered;
	s10 =	simm.s32 $_tile_overlayer_lowered  }
0x9f: {  	s23 =	simm.s32 $0x1BFF;
	s22 =	sshll.u32 s10, $0x1;
	s7 =	sadd.s32 s8, s20  }
0xa0: {  	s11 =	simm.s32 $0x0;
	s21 =	sshll.u32 s9, $0x1;
	s9 =	sadd.s32 s22, s7  }
0xa1: {  	[timem:s11], [sflag:s23] =	dma.local [hbm:s9], s21  }
0xa2: {  	_ =	swait.ge [sflag:s23], s21  }
0xa3: {  	s8 =	ssub.s32 $0x0, s21;
	[sflag:s23] =	ssyncset.done $0x0  }
0xa4: {  	[sflag:s23] =	ssyncadd.s32 s8;
	_ =	sdelay $0x1  }
0xa5: {  	s24 =	simm.s32 $0x1B8B  }
0xa6: {  	_ =	swait.ge [sflag:s24], $0x1  }
0xa7: {  	[sflag:s24] =	ssyncset.done $0x0  }
0xa8: {  	s25 =	simm.s32 $0x1B8E;
	[sflag:s24] =	ssyncadd.s32 $0xFFFFFFFF  }
0xa9: {  	s26 =	simm.s32 $execute0_lowered;
	[smem:$0x3FD2] =	sst s25  }
0xaa: {  	s8 =	sshll.u32 s26, $0x1;
	_ =	strace $0x80000046;
	[dreg:$0x1] =	wrdreg $0xFFFFFFFF  }
0xab: {  	s28 =	simm.s32 $_size_execute0_lowered;
	s7 =	sadd.s32 s7, s8;
	[dreg:$0x0] =	wrdreg $0x0  }
0xac: {  	s8 =	sshll.u32 s28, $0x1;
	[dreg:$0x2] =	wrdreg s7  }
0xad: {  	[dreg:$0x3] =	wrdreg s8  }
0xae: {  	[dreg:$0x4] =	wrdreg $0xC0  }
0xaf: {  	_ =	task [dreg:s11], $0x5FFFF  }
0xb0: {  	[dreg:$0x1] =	wrdreg $0xFFFFFFFF  }
0xb1: {  	[dreg:$0x0] =	wrdreg $0x60  }
0xb2: {  	[dreg:$0x2] =	wrdreg s2  }
0xb3: {  	[dreg:$0x3] =	wrdreg s19  }
0xb4: {  	[dreg:$0x4] =	wrdreg s4  }
0xb5: {  	[dreg:$0x5] =	wrdreg s5  }
0xb6: {  	[dreg:$0x6] =	wrdreg s6  }
0xb7: {  	[dreg:$0x7] =	wrdreg $0x9  }
0xb8: {  	_ =	task.clear_ibuf [dreg:s11], $0x8FFFF;
	_ =	strace $0x90000046  }
0xb9: {  	s29 =	simm.s32 $0x9;
	_ =	strace $0x80000048  }
0xba: {  	_ =	swait.ge [sflag:s29], $0x1  }
0xbb: {  	[sflag:s29] =	ssyncadd.s32 $0xFFFFFFFF  }
0xbc: {  	_ =	strace $0x90000048  }
0xbd: {  	_ =	sfence  }
0xbe: {  	s30 =	sld [smem:$0x0];
	_ =	sdelay $0x2  }
0xbf: {  	s31 =	sshll.u32 s1, $0xD;
	s1 =	sshrl.u32 s1, $0x2  }
0xc0: {  	s3 =	sand.u32 $0x4000, s31;
	s1 =	sadd.s32 s1, s30  }
0xc1: {  	s0 =	sor.u32 s3, s0;
	s1 =	sshll.u32 s1, $0x11  }
0xc2: {  	s0 =	sor.u32 s1, s0  }
0xc3: {  	s0 =	sadd.s32 $0x8F2B, s0  }
0xc4: {  	[sflag:s0] =	ssyncadd.remote.s32 $0x1  }
0xc5: {  	_ =	sfence.sel $0xFFFF  }
0xc6: {  	[dreg:$0x0] =	wrdreg $0xFFFFFFFF;
	(pc) =	sbr.abs _section_cstart, $3  }
0xc7: {  	[dreg:$0x1] =	wrdreg $0xFFFFFFFF  }
0xc8: {  	_ =	task.clear_ibuf [dreg:s11], $0x2FFFF;
	_ =	strace $0x9FFFFFFF  }
0xc9: {  	(tm) =	ssettm $0x7FFFFFFF  }
tec
execute0_lowered:
.L_overlay_start_1:
0x0: {  	(tag) =	ssettag $0x1  }
0x1: {  	s9 =	rddreg [dreg:$0x0]  }
0x2: {  	s8 =	rddreg [dreg:$0x1]  }
0x3: {  	s1 =	rddreg [dreg:$0x2]  }
0x4: {  	s3 =	rddreg [dreg:$0x3];
	s2 =	srdreg.scid  }
0x5: {  	s0 =	stileid.u32;
	s10 =	rddreg [dreg:$0x4];
	s13 =	simm.s32 $0x100  }
0x6: {  	s14 =	simm.s32 $0xD80;
	s15 =	simm.s32 $0x1;
	s16 =	simm.s32 $0x2  }
0x7: {  	s17 =	simm.s32 $0x1A00;
	s5 =	sand.u32 $0x1, s2;
	s4 =	sshll.u32 s0, $0x1  }
0x8: {  	s18 =	simm.s32 $0x3;
	s19 =	simm.s32 $0x0;
	s12 =	sor.u32 s5, s4  }
0x9: {  	s2 =	rddreg [dreg:$0x5];
	s4 =	simm.s32 $0x0;
	s7 =	smul.u32 $0x188, s12  }
.Ltmp0:
0xa: {  	s5 =	ssub.s32 $0x2, s5;
	[smem:$0x7FF] =	sst s4;
	(pc) =	sbr.rel .LBB2_1-.Ltmp0, $4  }
0xb: {  	s6 =	sshrl.u32 s5, $0x1;
	p0 =	seq.s32 s12, $0x1F;
	s12 =	simm.s32 $0x80  }
0xc: {  	_ =	strace $0x80000047;
	s11 =	ssub.s32 s5, s6;
	s5 =	sadd.s32 s8, s7  }
0xd: {  	s6 =	sadd.s32 s9, s7;
	s7 =	sadd.s32 s10, s7;
	s8 =	sadd.s32 $0x2F78, s8  }
0xe: {  	s9 =	sadd.s32 $0x2F78, s9;
	s10 =	sadd.s32 $0x2F78, s10;
	s11 =	smax.u32 s11, $0x1  }
.LBB2_12:
0xf: {  	s19 =	sadd.s32 $0x1, s19  }
0x10: {  	p1 =	sne.s32 s19, s11  }
.Ltmp1:
0x11: {  	_ = 	snop;
	(pc) =	sbr.rel @!p1 .LBB2_13-.Ltmp1, $1  }
0x12: {  	_ =	sdelay $0x3  }
.LBB2_1:
.Ltmp2:
0x13: {  	(pc) =	sbr.rel @!p0 .LBB2_2-.Ltmp2, $4  }
0x14: {  	_ = 	snop  }
0x15: {  	[tilespmem:s4], [sflag:$0x1] =	stream.linear.gather [hbm4b:s1+s4], $0x80, $0x38;
	[tilespmem:$0x2680] =	vst v63  }
0x16: {  	_ = 	snop  }
0x17: {  	[tilespmem:s12], [sflag:$0x1] =	stream.linear.gather [hbm4b:s3+s4], $0x80, $0x38;
	[tilespmem:$0x2680] =	vst v63  }
0x18: {  	[tilespmem:s13], [sflag:$0x2] =	stream.linear.gather [hbm4b:s8+s4], $0xAE0, $0x38;
	[tilespmem:$0x2680] =	vst v63  }
0x19: {  	_ = 	snop  }
0x1a: {  	[tilespmem:s14], [sflag:$0x2] =	stream.linear.gather [hbm4b:s9+s4], $0xAE0, $0x38;
	[tilespmem:$0x2680] =	vst v63  }
0x1b: {  	_ =	swait.ge [sflag:s15], $0x80  }
0x1c: {  	[sflag:s15] =	ssyncset.done $0x0  }
0x1d: {  	[sflag:s15] =	ssyncadd.s32 $0xFFFFFF80  }
0x1e: {  	_ =	swait.ge [sflag:s15], $0x80  }
0x1f: {  	[sflag:s15] =	ssyncset.done $0x0  }
0x20: {  	[sflag:s15] =	ssyncadd.s32 $0xFFFFFF80  }
0x21: {  	_ =	swait.ge [sflag:s16], $0xAE0  }
0x22: {  	[sflag:s16] =	ssyncset.done $0x0  }
0x23: {  	[sflag:s16] =	ssyncadd.s32 $0xFFFFF520  }
0x24: {  	_ =	swait.ge [sflag:s16], $0xAE0  }
0x25: {  	[sflag:s16] =	ssyncset.done $0x0  }
0x26: {  	s20 =	simm.s32 $0x140;
	[sflag:s16] =	ssyncadd.s32 $0xFFFFF520  }
0x27: {  	v0 =	vld [tilespmem:s20+$0x30]  }
0x28: {  	v1 =	vld [tilespmem:s20+$0xFFFFFFD0]  }
0x29: {  	v2 =	vld [tilespmem:s20+$0xFFFFFFE0]  }
0x2a: {  	v3 =	vld [tilespmem:s20+$0xFFFFFFF0]  }
0x2b: {  	v4 =	vld [tilespmem:s20+$0x0]  }
0x2c: {  	v8 =	vld [tilespmem:s20+$0x10]  }
0x2d: {  	v11 =	vld [tilespmem:s20+$0x20]  }
0x2e: {  	v5 =	vld [tilespmem:s20+$0xFFFFFFC0];
	s20 =	simm.s32 $0xDC0  }
0x2f: {  	v7 =	vld [tilespmem:s20+$0x30]  }
0x30: {  	v18 =	vld [tilespmem:s20+$0xFFFFFFC0]  }
0x31: {  	v19 =	vld [tilespmem:s20+$0xFFFFFFD0]  }
0x32: {  	v20 =	vld [tilespmem:s20+$0xFFFFFFE0]  }
0x33: {  	v21 =	vld [tilespmem:s20+$0xFFFFFFF0]  }
0x34: {  	v22 =	vld [tilespmem:s20+$0x0]  }
0x35: {  	v23 =	vld [tilespmem:s20+$0x10]  }
0x36: {  	v24 =	vld [tilespmem:s20+$0x20]  }
0x37: {  	v6 =	vld.idx.msk [tilespmem:v0+s12+$0x0], $0xffff  }
0x38: {  	v9 =	vld.idx.msk [tilespmem:v0+s4+$0x0], $0xffff  }
0x39: {  	v10 =	vld.idx.msk [tilespmem:v1+s12+$0x0], $0xffff  }
0x3a: {  	v12 =	vld.idx.msk [tilespmem:v2+s12+$0x0], $0xffff  }
0x3b: {  	v13 =	vld.idx.msk [tilespmem:v3+s12+$0x0], $0xffff  }
0x3c: {  	v14 =	vld.idx.msk [tilespmem:v4+s12+$0x0], $0xffff  }
0x3d: {  	v15 =	vld.idx.msk [tilespmem:v5+s12+$0x0], $0xffff  }
0x3e: {  	v16 =	vld.idx.msk [tilespmem:v8+s12+$0x0], $0xffff  }
0x3f: {  	v17 =	vld.idx.msk [tilespmem:v11+s12+$0x0], $0xffff  }
0x40: {  	v25 =	vld.idx.msk [tilespmem:v5+s4+$0x0], $0xffff  }
0x41: {  	v0 =	vld.idx.msk [tilespmem:v2+s4+$0x0], $0xffff  }
0x42: {  	v2 =	vld.idx.msk [tilespmem:v3+s4+$0x0], $0xffff  }
0x43: {  	v5 =	vmul.f32 v7, v6;
	v7 =	vld.idx.msk [tilespmem:v1+s4+$0x0], $0xffff  }
0x44: {  	v3 =	vld.idx.msk [tilespmem:v4+s4+$0x0], $0xffff;
	v15 =	vmul.f32 v18, v15  }
0x45: {  	s25 =	simm.s32 $0x1A40;
	v11 =	vld.idx.msk [tilespmem:v11+s4+$0x0], $0xffff;
	v1 =	vmul.f32 v20, v12;
	v4 =	vmul.f32 v24, v17;
	v6 =	vadd.f32 v5, v9  }
0x46: {  	s26 =	simm.s32 $0x0;
	s21 =	simm.s32 $0xB80;
	s22 =	simm.s32 $0xA70;
	v5 =	vmul.f32 v19, v10;
	v9 =	vmul.f32 v21, v13;
	v10 =	vld.idx.msk [tilespmem:v8+s4+$0x0], $0xffff  }
0x47: {  	s23 =	simm.s32 $0x2480;
	s24 =	simm.s32 $0x1800;
	s28 =	simm.s32 $0x1C0;
	v8 =	vmul.f32 v23, v16;
	v12 =	vadd.f32 v15, v25;
	[tilespmem:s25+$0x30] =	vst v6;
	v6 =	vmul.f32 v22, v14  }
.LBB2_8:
0x48: {  	v13 =	vld [tilespmem:s28+$0x30];
	s26 =	sadd.s32 $0x80, s26;
	v5 =	vadd.f32 v5, v7  }
0x49: {  	v0 =	vadd.f32 v1, v0;
	v7 =	vld [tilespmem:s28+$0xFFFFFFD0];
	p1 =	slt.u32 s26, $0xA00;
	[tilespmem:s25+$0xFFFFFFC0] =	vst v12  }
0x4a: {  	v1 =	vadd.f32 v9, v2;
	v12 =	vld [tilespmem:s28+$0xFFFFFFE0];
	[tilespmem:s25+$0xFFFFFFD0] =	vst v5  }
0x4b: {  	v2 =	vld [tilespmem:s28+$0xFFFFFFF0];
	[tilespmem:s25+$0xFFFFFFE0] =	vst v0;
	v0 =	vadd.f32 v6, v3  }
0x4c: {  	v3 =	vld [tilespmem:s28+$0x0];
	[tilespmem:s25+$0xFFFFFFF0] =	vst v1;
	v1 =	vadd.f32 v8, v10  }
0x4d: {  	v10 =	vld [tilespmem:s28+$0x10];
	[tilespmem:s25+$0x0] =	vst v0;
	v0 =	vadd.f32 v4, v11  }
0x4e: {  	v11 =	vld [tilespmem:s28+$0x20];
	[tilespmem:s25+$0x10] =	vst v1  }
0x4f: {  	v1 =	vld [tilespmem:s28+$0xFFFFFFC0];
	[tilespmem:s25+$0x20] =	vst v0  }
0x50: {  	s20 =	sadd.s32 $0x80, s20;
	v0 =	vld.idx.msk [tilespmem:v13+s12+$0x0], $0xffff  }
0x51: {  	v4 =	vld [tilespmem:s20+$0x30]  }
0x52: {  	v5 =	vld.idx.msk [tilespmem:v13+s4+$0x0], $0xffff  }
0x53: {  	v6 =	vld.idx.msk [tilespmem:v7+s12+$0x0], $0xffff  }
0x54: {  	v8 =	vld.idx.msk [tilespmem:v12+s12+$0x0], $0xffff  }
0x55: {  	v9 =	vld.idx.msk [tilespmem:v2+s12+$0x0], $0xffff  }
0x56: {  	v13 =	vld.idx.msk [tilespmem:v3+s12+$0x0], $0xffff;
	v0 =	vmul.f32 v4, v0  }
0x57: {  	v4 =	vld.idx.msk [tilespmem:v1+s12+$0x0], $0xffff  }
0x58: {  	v14 =	vld.idx.msk [tilespmem:v10+s12+$0x0], $0xffff;
	v0 =	vadd.f32 v0, v5  }
0x59: {  	s25 =	sadd.s32 $0x80, s25;
	v15 =	vld.idx.msk [tilespmem:v11+s12+$0x0], $0xffff  }
0x5a: {  	v5 =	vld [tilespmem:s20+$0xFFFFFFC0];
	[tilespmem:s25+$0x30] =	vst v0  }
0x5b: {  	v0 =	vld [tilespmem:s20+$0xFFFFFFD0]  }
0x5c: {  	v16 =	vld [tilespmem:s20+$0xFFFFFFE0]  }
0x5d: {  	v17 =	vld [tilespmem:s20+$0xFFFFFFF0]  }
0x5e: {  	v18 =	vld [tilespmem:s20+$0x0]  }
0x5f: {  	v19 =	vmul.f32 v5, v4;
	v4 =	vld [tilespmem:s20+$0x10]  }
0x60: {  	v5 =	vmul.f32 v0, v6;
	v20 =	vld [tilespmem:s20+$0x20]  }
0x61: {  	v21 =	vld.idx.msk [tilespmem:v1+s4+$0x0], $0xffff;
	v1 =	vmul.f32 v16, v8  }
0x62: {  	v7 =	vld.idx.msk [tilespmem:v7+s4+$0x0], $0xffff;
	v9 =	vmul.f32 v17, v9  }
.Ltmp3:
0x63: {  	v0 =	vld.idx.msk [tilespmem:v12+s4+$0x0], $0xffff;
	v6 =	vmul.f32 v18, v13;
	(pc) =	sbr.rel @p1 .LBB2_8-.Ltmp3, $4  }
0x64: {  	v2 =	vld.idx.msk [tilespmem:v2+s4+$0x0], $0xffff;
	v8 =	vmul.f32 v4, v14  }
0x65: {  	v3 =	vld.idx.msk [tilespmem:v3+s4+$0x0], $0xffff;
	v4 =	vmul.f32 v20, v15  }
0x66: {  	v10 =	vld.idx.msk [tilespmem:v10+s4+$0x0], $0xffff  }
0x67: {  	s28 =	sadd.s32 $0x80, s28;
	v12 =	vadd.f32 v19, v21;
	v11 =	vld.idx.msk [tilespmem:v11+s4+$0x0], $0xffff  }
0x68: {  	v5 =	vadd.f32 v5, v7  }
0x69: {  	v0 =	vadd.f32 v1, v0;
	[tilespmem:s25+$0xFFFFFFC0] =	vst v12  }
0x6a: {  	v60 =	vadd.f32 v9, v2;
	[tilespmem:s25+$0xFFFFFFD0] =	vst v5  }
0x6b: {  	[tilespmem:s25+$0xFFFFFFE0] =	vst v0;
	v61 =	vadd.f32 v6, v3  }
0x6c: {  	[tilespmem:s25+$0xFFFFFFF0] =	vst v60;
	v62 =	vadd.f32 v8, v10  }
0x6d: {  	[tilespmem:s25+$0x0] =	vst v61;
	v63 =	vadd.f32 v4, v11  }
0x6e: {  	[tilespmem:s25+$0x10] =	vst v62  }
0x6f: {  	[tilespmem:s25+$0x20] =	vst v63  }
.LBB2_10:
0x70: {  	v0 =	vld [tilespmem:s21+$0x0];
	_ =	sdelay $0x6  }
0x71: {  	v2 =	vld [tilespmem:s24+$0x0]  }
0x72: {  	v1 =	vld.idx.msk [tilespmem:v0+s12+$0x0], $0xffff;
	_ =	sdelay $0x1  }
0x73: {  	v0 =	vld.idx.msk [tilespmem:v0+s4+$0x0], $0xffff  }
0x74: {  	s22 =	sadd.s32 $0x10, s22  }
0x75: {  	p1 =	slt.u32 s22, $0xAD0  }
.Ltmp4:
0x76: {  	v1 =	vmul.f32 v2, v1;
	(pc) =	sbr.rel @p1 .LBB2_10-.Ltmp4, $3  }
0x77: {  	_ = 	snop  }
0x78: {  	v0 =	vadd.f32 v1, v0;
	_ =	sdelay $0x1  }
0x79: {  	s24 =	sadd.s32 $0x10, s24;
	s21 =	sadd.s32 $0x10, s21;
	[tilespmem:s23+$0x0] =	vst v0;
	s23 =	sadd.s32 $0x10, s23  }
.Ltmp5:
0x7a: {  	(pc) =	sbr.rel .LBB2_12-.Ltmp5, $4  }
0x7b: {  	[hbm4b:s10+s4] =	stream.linear.scatter [tilespmem:s17], [sflag:$0x3], $0xAE0, $0x38;
	[tilespmem:$0x2680] =	vst v63  }
0x7c: {  	_ =	swait.ge [sflag:s18], $0xAE0  }
0x7d: {  	[sflag:s18] =	ssyncset.done $0x0  }
0x7e: {  	[sflag:s18] =	ssyncadd.s32 $0xFFFFF520  }
.LBB2_2:
0x7f: {  	[tilespmem:s13], [sflag:$0x2] =	stream.linear.gather [hbm4b:s5+s4], $0xC40, $0x38;
	[tilespmem:$0x2680] =	vst v63  }
0x80: {  	_ = 	snop  }
0x81: {  	[tilespmem:s14], [sflag:$0x2] =	stream.linear.gather [hbm4b:s6+s4], $0xC40, $0x38;
	[tilespmem:$0x2680] =	vst v63  }
0x82: {  	_ =	swait.ge [sflag:s15], $0x80  }
0x83: {  	[sflag:s15] =	ssyncset.done $0x0  }
0x84: {  	[sflag:s15] =	ssyncadd.s32 $0xFFFFFF80  }
0x85: {  	_ =	swait.ge [sflag:s15], $0x80  }
0x86: {  	[sflag:s15] =	ssyncset.done $0x0  }
0x87: {  	[sflag:s15] =	ssyncadd.s32 $0xFFFFFF80  }
0x88: {  	_ =	swait.ge [sflag:s16], $0xC40  }
0x89: {  	[sflag:s16] =	ssyncset.done $0x0  }
0x8a: {  	[sflag:s16] =	ssyncadd.s32 $0xFFFFF3C0  }
0x8b: {  	_ =	swait.ge [sflag:s16], $0xC40  }
0x8c: {  	[sflag:s16] =	ssyncset.done $0x0  }
0x8d: {  	s20 =	simm.s32 $0x140;
	[sflag:s16] =	ssyncadd.s32 $0xFFFFF3C0  }
0x8e: {  	v0 =	vld [tilespmem:s20+$0x30]  }
0x8f: {  	v1 =	vld [tilespmem:s20+$0xFFFFFFD0]  }
0x90: {  	v2 =	vld [tilespmem:s20+$0xFFFFFFE0]  }
0x91: {  	v3 =	vld [tilespmem:s20+$0xFFFFFFF0]  }
0x92: {  	v4 =	vld [tilespmem:s20+$0x0]  }
0x93: {  	v8 =	vld [tilespmem:s20+$0x10]  }
0x94: {  	v11 =	vld [tilespmem:s20+$0x20]  }
0x95: {  	v5 =	vld [tilespmem:s20+$0xFFFFFFC0];
	s20 =	simm.s32 $0xDC0  }
0x96: {  	v7 =	vld [tilespmem:s20+$0x30]  }
0x97: {  	v18 =	vld [tilespmem:s20+$0xFFFFFFC0]  }
0x98: {  	v19 =	vld [tilespmem:s20+$0xFFFFFFD0]  }
0x99: {  	v20 =	vld [tilespmem:s20+$0xFFFFFFE0]  }
0x9a: {  	v21 =	vld [tilespmem:s20+$0xFFFFFFF0]  }
0x9b: {  	v22 =	vld [tilespmem:s20+$0x0]  }
0x9c: {  	v23 =	vld [tilespmem:s20+$0x10]  }
0x9d: {  	v24 =	vld [tilespmem:s20+$0x20]  }
0x9e: {  	v6 =	vld.idx.msk [tilespmem:v0+s12+$0x0], $0xffff  }
0x9f: {  	v9 =	vld.idx.msk [tilespmem:v0+s4+$0x0], $0xffff  }
0xa0: {  	v10 =	vld.idx.msk [tilespmem:v1+s12+$0x0], $0xffff  }
0xa1: {  	v12 =	vld.idx.msk [tilespmem:v2+s12+$0x0], $0xffff  }
0xa2: {  	v13 =	vld.idx.msk [tilespmem:v3+s12+$0x0], $0xffff  }
0xa3: {  	v14 =	vld.idx.msk [tilespmem:v4+s12+$0x0], $0xffff  }
0xa4: {  	v15 =	vld.idx.msk [tilespmem:v5+s12+$0x0], $0xffff  }
0xa5: {  	v16 =	vld.idx.msk [tilespmem:v8+s12+$0x0], $0xffff  }
0xa6: {  	v17 =	vld.idx.msk [tilespmem:v11+s12+$0x0], $0xffff  }
0xa7: {  	v25 =	vld.idx.msk [tilespmem:v5+s4+$0x0], $0xffff  }
0xa8: {  	v0 =	vld.idx.msk [tilespmem:v2+s4+$0x0], $0xffff  }
0xa9: {  	v2 =	vld.idx.msk [tilespmem:v3+s4+$0x0], $0xffff  }
0xaa: {  	v5 =	vmul.f32 v7, v6;
	v7 =	vld.idx.msk [tilespmem:v1+s4+$0x0], $0xffff  }
0xab: {  	v3 =	vld.idx.msk [tilespmem:v4+s4+$0x0], $0xffff;
	v15 =	vmul.f32 v18, v15  }
0xac: {  	s25 =	simm.s32 $0x1A40;
	v11 =	vld.idx.msk [tilespmem:v11+s4+$0x0], $0xffff;
	v1 =	vmul.f32 v20, v12;
	v4 =	vmul.f32 v24, v17;
	v6 =	vadd.f32 v5, v9  }
0xad: {  	s26 =	simm.s32 $0x0;
	s21 =	simm.s32 $0xD00;
	s22 =	simm.s32 $0xBF0;
	v5 =	vmul.f32 v19, v10;
	v9 =	vmul.f32 v21, v13;
	v10 =	vld.idx.msk [tilespmem:v8+s4+$0x0], $0xffff  }
0xae: {  	s23 =	simm.s32 $0x2600;
	s24 =	simm.s32 $0x1980;
	s28 =	simm.s32 $0x1C0;
	v8 =	vmul.f32 v23, v16;
	v12 =	vadd.f32 v15, v25;
	[tilespmem:s25+$0x30] =	vst v6;
	v6 =	vmul.f32 v22, v14  }
.LBB2_3:
0xaf: {  	v13 =	vld [tilespmem:s28+$0x30];
	s26 =	sadd.s32 $0x80, s26;
	v5 =	vadd.f32 v5, v7  }
0xb0: {  	v0 =	vadd.f32 v1, v0;
	v7 =	vld [tilespmem:s28+$0xFFFFFFD0];
	p1 =	slt.u32 s26, $0xB80;
	[tilespmem:s25+$0xFFFFFFC0] =	vst v12  }
0xb1: {  	v1 =	vadd.f32 v9, v2;
	v12 =	vld [tilespmem:s28+$0xFFFFFFE0];
	[tilespmem:s25+$0xFFFFFFD0] =	vst v5  }
0xb2: {  	v2 =	vld [tilespmem:s28+$0xFFFFFFF0];
	[tilespmem:s25+$0xFFFFFFE0] =	vst v0;
	v0 =	vadd.f32 v6, v3  }
0xb3: {  	v3 =	vld [tilespmem:s28+$0x0];
	[tilespmem:s25+$0xFFFFFFF0] =	vst v1;
	v1 =	vadd.f32 v8, v10  }
0xb4: {  	v10 =	vld [tilespmem:s28+$0x10];
	[tilespmem:s25+$0x0] =	vst v0;
	v0 =	vadd.f32 v4, v11  }
0xb5: {  	v11 =	vld [tilespmem:s28+$0x20];
	[tilespmem:s25+$0x10] =	vst v1  }
0xb6: {  	v1 =	vld [tilespmem:s28+$0xFFFFFFC0];
	[tilespmem:s25+$0x20] =	vst v0  }
0xb7: {  	s20 =	sadd.s32 $0x80, s20;
	v0 =	vld.idx.msk [tilespmem:v13+s12+$0x0], $0xffff  }
0xb8: {  	v4 =	vld [tilespmem:s20+$0x30]  }
0xb9: {  	v5 =	vld.idx.msk [tilespmem:v13+s4+$0x0], $0xffff  }
0xba: {  	v6 =	vld.idx.msk [tilespmem:v7+s12+$0x0], $0xffff  }
0xbb: {  	v8 =	vld.idx.msk [tilespmem:v12+s12+$0x0], $0xffff  }
0xbc: {  	v9 =	vld.idx.msk [tilespmem:v2+s12+$0x0], $0xffff  }
0xbd: {  	v13 =	vld.idx.msk [tilespmem:v3+s12+$0x0], $0xffff;
	v0 =	vmul.f32 v4, v0  }
0xbe: {  	v4 =	vld.idx.msk [tilespmem:v1+s12+$0x0], $0xffff  }
0xbf: {  	v14 =	vld.idx.msk [tilespmem:v10+s12+$0x0], $0xffff;
	v0 =	vadd.f32 v0, v5  }
0xc0: {  	s25 =	sadd.s32 $0x80, s25;
	v15 =	vld.idx.msk [tilespmem:v11+s12+$0x0], $0xffff  }
0xc1: {  	v5 =	vld [tilespmem:s20+$0xFFFFFFC0];
	[tilespmem:s25+$0x30] =	vst v0  }
0xc2: {  	v0 =	vld [tilespmem:s20+$0xFFFFFFD0]  }
0xc3: {  	v16 =	vld [tilespmem:s20+$0xFFFFFFE0]  }
0xc4: {  	v17 =	vld [tilespmem:s20+$0xFFFFFFF0]  }
0xc5: {  	v18 =	vld [tilespmem:s20+$0x0]  }
0xc6: {  	v19 =	vmul.f32 v5, v4;
	v4 =	vld [tilespmem:s20+$0x10]  }
0xc7: {  	v5 =	vmul.f32 v0, v6;
	v20 =	vld [tilespmem:s20+$0x20]  }
0xc8: {  	v21 =	vld.idx.msk [tilespmem:v1+s4+$0x0], $0xffff;
	v1 =	vmul.f32 v16, v8  }
0xc9: {  	v7 =	vld.idx.msk [tilespmem:v7+s4+$0x0], $0xffff;
	v9 =	vmul.f32 v17, v9  }
.Ltmp6:
0xca: {  	v0 =	vld.idx.msk [tilespmem:v12+s4+$0x0], $0xffff;
	v6 =	vmul.f32 v18, v13;
	(pc) =	sbr.rel @p1 .LBB2_3-.Ltmp6, $4  }
0xcb: {  	v2 =	vld.idx.msk [tilespmem:v2+s4+$0x0], $0xffff;
	v8 =	vmul.f32 v4, v14  }
0xcc: {  	v3 =	vld.idx.msk [tilespmem:v3+s4+$0x0], $0xffff;
	v4 =	vmul.f32 v20, v15  }
0xcd: {  	v10 =	vld.idx.msk [tilespmem:v10+s4+$0x0], $0xffff  }
0xce: {  	s28 =	sadd.s32 $0x80, s28;
	v12 =	vadd.f32 v19, v21;
	v11 =	vld.idx.msk [tilespmem:v11+s4+$0x0], $0xffff  }
0xcf: {  	v5 =	vadd.f32 v5, v7  }
0xd0: {  	v0 =	vadd.f32 v1, v0;
	[tilespmem:s25+$0xFFFFFFC0] =	vst v12  }
0xd1: {  	v60 =	vadd.f32 v9, v2;
	[tilespmem:s25+$0xFFFFFFD0] =	vst v5  }
0xd2: {  	[tilespmem:s25+$0xFFFFFFE0] =	vst v0;
	v61 =	vadd.f32 v6, v3  }
0xd3: {  	[tilespmem:s25+$0xFFFFFFF0] =	vst v60;
	v62 =	vadd.f32 v8, v10  }
0xd4: {  	[tilespmem:s25+$0x0] =	vst v61;
	v63 =	vadd.f32 v4, v11  }
0xd5: {  	[tilespmem:s25+$0x10] =	vst v62  }
0xd6: {  	[tilespmem:s25+$0x20] =	vst v63  }
.LBB2_5:
0xd7: {  	v0 =	vld [tilespmem:s21+$0x0];
	_ =	sdelay $0x6  }
0xd8: {  	v2 =	vld [tilespmem:s24+$0x0]  }
0xd9: {  	v1 =	vld.idx.msk [tilespmem:v0+s12+$0x0], $0xffff;
	_ =	sdelay $0x1  }
0xda: {  	v0 =	vld.idx.msk [tilespmem:v0+s4+$0x0], $0xffff  }
0xdb: {  	s22 =	sadd.s32 $0x10, s22  }
0xdc: {  	p1 =	slt.u32 s22, $0xC30  }
.Ltmp7:
0xdd: {  	v1 =	vmul.f32 v2, v1;
	(pc) =	sbr.rel @p1 .LBB2_5-.Ltmp7, $3  }
0xde: {  	_ = 	snop  }
0xdf: {  	v0 =	vadd.f32 v1, v0;
	_ =	sdelay $0x1  }
0xe0: {  	s24 =	sadd.s32 $0x10, s24;
	s21 =	sadd.s32 $0x10, s21;
	[tilespmem:s23+$0x0] =	vst v0;
	s23 =	sadd.s32 $0x10, s23  }
.Ltmp8:
0xe1: {  	(pc) =	sbr.rel .LBB2_12-.Ltmp8, $4  }
0xe2: {  	[hbm4b:s7+s4] =	stream.linear.scatter [tilespmem:s17], [sflag:$0x3], $0xC40, $0x38;
	[tilespmem:$0x2680] =	vst v63  }
0xe3: {  	_ =	swait.ge [sflag:s18], $0xC40  }
0xe4: {  	[sflag:s18] =	ssyncset.done $0x0  }
0xe5: {  	[sflag:s18] =	ssyncadd.s32 $0xFFFFF3C0  }
.LBB2_13:
0xe6: {  	_ =	sfence.sel $0x180000  }
0xe7: {  	[bflag:$0x0] =	sbarrier.arrive $0xFFFF  }
0xe8: {  	p0 =	sne.s32 s0, $0x0;
	_ =	strace $0x90000047  }
0xe9: {  	s0 =	sadd.s32 @!p0 $0x100000, s2;
	[bflag:$0x2] =	sbarrier.arrive $0xFFFF  }
0xea: {  	[sflag:s0] =	ssyncadd.tile.s32 @!p0 $0x1;
	_ =	shalt  }
.Lfunc_end2:
_tile_overlayer_lowered:
.L_overlay_start_2:
0xeb: {  	(tag) =	ssettag $0x2  }
0xec: {  	s0 =	rddreg [dreg:$0x0];
	s2 =	stileid.u32  }
0xed: {  	s1 =	rddreg [dreg:$0x1];
	p0 =	sne.s32 s2, $0x0  }
0xee: {  	s3 =	rddreg [dreg:$0x2];
	[bflag:$0x3] =	sbarrier.arrive $0xFFFF;
	s2 =	simm.s32 @!p0 $0x1C03  }
0xef: {  	[timem:s3], [sflag:s2] =	dma.local @!p0 [hbm:s0], s1  }
0xf0: {  	s0 =	simm.s32 @!p0 $0x3  }
0xf1: {  	_ =	swait.ge @!p0 [sflag:s0], s1  }
0xf2: {  	s1 =	ssub.s32 @!p0 $0x0, s1;
	[sflag:s0] =	ssyncset.done @!p0 $0x0  }
0xf3: {  	[sflag:s0] =	ssyncadd.s32 @!p0 s1  }
0xf4: {  	[bflag:$0x3] =	sbarrier.arrive $0xFFFF  }
0xf5: {  	_ =	shalt  }

</sc_bundles>
